<compile_context>
chip_gen: v7x
topology: tpu7x:2x2x1
jax: 0.10.2.dev20260603
libtpu: 0.0.44.dev20260713+nightly
codegen_flags: <defaults>
</compile_context>

<pallas_src>
import functools

import jax
import jax.numpy as jnp
from jax.experimental import pallas as pl
from jax.experimental.pallas import tpu as pltpu
from jax.experimental.pallas import tpu_sc as plsc


def _conv(x, w, b, stride=1, pad=1):
    o = jax.lax.conv_general_dilated(
        x, w, (stride, stride), [(pad, pad), (pad, pad)],
        dimension_numbers=('NCHW', 'OIHW', 'NCHW'))
    return o + b[None, :, None, None]


def _convT(x, w, b, stride=2, pad=1):
    k = w.shape[2]
    p = k - 1 - pad
    o = jax.lax.conv_general_dilated(
        x, jnp.flip(w, (2, 3)), (1, 1), [(p, p), (p, p)],
        lhs_dilation=(stride, stride), dimension_numbers=('NCHW', 'OIHW', 'NCHW'))
    return o + b[None, :, None, None]


def _res(x, p, pre):
    h = jax.nn.relu(x)
    h = _conv(h, p[pre + '_w1'], p[pre + '_b1'], 1, 1)
    h = jax.nn.relu(h)
    h = _conv(h, p[pre + '_w2'], p[pre + '_b2'], 1, 0)
    return x + h


def _conv_nhwc(x, w, b, stride=1, pad=1):
    o = jax.lax.conv_general_dilated(
        x, w.transpose(2, 3, 1, 0), (stride, stride), [(pad, pad), (pad, pad)],
        dimension_numbers=('NHWC', 'HWIO', 'NHWC'))
    return o + b[None, None, None, :]


def _convT_nhwc(x, w, b, stride=2, pad=1):
    k = w.shape[2]
    p = k - 1 - pad
    wf = jnp.flip(w, (2, 3)).transpose(2, 3, 1, 0)
    o = jax.lax.conv_general_dilated(
        x, wf, (1, 1), [(p, p), (p, p)], lhs_dilation=(stride, stride),
        dimension_numbers=('NHWC', 'HWIO', 'NHWC'))
    return o + b[None, None, None, :]


def _res_nhwc(x, p, pre):
    h = jax.nn.relu(x)
    h = _conv_nhwc(h, p[pre + '_w1'], p[pre + '_b1'], 1, 1)
    h = jax.nn.relu(h)
    h = _conv_nhwc(h, p[pre + '_w2'], p[pre + '_b2'], 1, 0)
    return x + h


def _vq_body(flat_ref, emb_ref, e2_ref, ind_ref, dsum_ref):
    flat = flat_ref[...]
    fsq = jnp.sum(flat * flat, axis=1, keepdims=True)
    scores = jax.lax.dot(flat.astype(jnp.bfloat16),
                         emb_ref[...].astype(jnp.bfloat16),
                         preferred_element_type=jnp.float32)
    dist = fsq - 2.0 * scores + e2_ref[...]
    m = jnp.min(dist, axis=1, keepdims=True)
    C = dist.shape[1]
    iota = jax.lax.broadcasted_iota(jnp.int32, dist.shape, 1)
    ind = jnp.min(jnp.where(dist == m, iota, C), axis=1)
    ind_ref[...] = ind[:, None]
    dsum = jnp.sum(m) * jnp.ones((1, 1), jnp.float32)

    @pl.when(pl.program_id(0) == 0)
    def _init():
        dsum_ref[...] = jnp.zeros((1, 1), jnp.float32)

    dsum_ref[...] += dsum


def _vq(flat, embed, block_rows):
    N, D = flat.shape
    C = embed.shape[1]
    e2 = (embed ** 2).sum(0, keepdims=True)
    grid = N // block_rows
    ind, dsum = pl.pallas_call(
        _vq_body,
        grid=(grid,),
        in_specs=[
            pl.BlockSpec((block_rows, D), lambda i: (i, 0)),
            pl.BlockSpec((D, C), lambda i: (0, 0)),
            pl.BlockSpec((1, C), lambda i: (0, 0)),
        ],
        out_specs=[
            pl.BlockSpec((block_rows, 1), lambda i: (i, 0)),
            pl.BlockSpec((1, 1), lambda i: (0, 0)),
        ],
        out_shape=[
            jax.ShapeDtypeStruct((N, 1), jnp.int32),
            jax.ShapeDtypeStruct((1, 1), jnp.float32),
        ],
    )(flat, embed, e2)
    return ind, dsum[0, 0]


def _convT_subpixel(x, w, b):
    wf = jnp.flip(w, (2, 3))
    Bn, I, H, W = x.shape
    O = w.shape[0]
    ps = []
    for dy in (0, 1):
        for dx in (0, 1):
            wp = wf[:, :, dy::2, dx::2]
            pad_y = (1, 0) if dy == 0 else (0, 1)
            pad_x = (1, 0) if dx == 0 else (0, 1)
            o = jax.lax.conv_general_dilated(
                x, wp, (1, 1), [pad_y, pad_x],
                dimension_numbers=('NCHW', 'OIHW', 'NCHW'))
            ps.append(o)
    st = jnp.stack(ps, axis=2).reshape(Bn, O, 2, 2, H, W)
    out = st.transpose(0, 1, 4, 2, 5, 3).reshape(Bn, O, 2 * H, 2 * W)
    return out + b[None, :, None, None]


def _sc_gather(table, idx):
    info = plsc.get_sparse_core_info()
    NW = info.num_cores * info.num_subcores
    B = idx.shape[0]
    D = table.shape[1]
    pad = (-B) % (8 * NW)
    if pad:
        idx = jnp.concatenate([idx, jnp.zeros((pad,), jnp.int32)])
    Bp = B + pad
    b_per_w = Bp // NW
    mesh = plsc.VectorSubcoreMesh(core_axis_name="c", subcore_axis_name="s")

    @functools.partial(
        pl.kernel, mesh=mesh,
        out_type=jax.ShapeDtypeStruct((Bp, D), jnp.float32),
        scratch_types=[
            pltpu.VMEM((b_per_w,), jnp.int32),
            pltpu.VMEM((b_per_w, D), jnp.float32),
            pltpu.SemaphoreType.DMA,
        ],
        compiler_params=pltpu.CompilerParams(use_tc_tiling_on_sc=False),
    )
    def k(table_hbm, idx_hbm, out_hbm, idx_v, rows_v, sem):
        wid = jax.lax.axis_index("s") * info.num_cores + jax.lax.axis_index("c")
        base = wid * b_per_w
        pltpu.sync_copy(idx_hbm.at[pl.ds(base, b_per_w)], idx_v)
        pltpu.async_copy(table_hbm.at[idx_v], rows_v, sem).wait()
        pltpu.sync_copy(rows_v, out_hbm.at[pl.ds(base, b_per_w)])

    out = k(table, idx)
    return out[:B] if pad else out


def _quantize_nchw(x_nchw, w1x1, b1x1, embed, block_rows):
    qt = _conv(x_nchw, w1x1, b1x1, 1, 0).transpose(0, 2, 3, 1)
    Bn, H, Wd, D = qt.shape
    flat = qt.reshape(-1, D)
    ind, dsum = _vq(flat, embed, block_rows)
    diff = dsum / (flat.shape[0] * D)
    qg = _sc_gather(embed.T, ind[:, 0]).reshape(Bn, H, Wd, D)
    qst = qt + jax.lax.stop_gradient(qg - qt)
    return ind, qst.transpose(0, 3, 1, 2), diff


def kernel(input, params):
    p = params
    h = _conv(input, p['eb_w1'], p['eb_b1'], 2, 1); h = jax.nn.relu(h)
    h = _conv(h, p['eb_w2'], p['eb_b2'], 2, 1); h = jax.nn.relu(h)
    h = _conv(h, p['eb_w3'], p['eb_b3'], 1, 1)
    h = _res(h, p, 'eb_r1'); h = _res(h, p, 'eb_r2')
    enc_b = jax.nn.relu(h)
    h = _conv(enc_b, p['et_w1'], p['et_b1'], 2, 1); h = jax.nn.relu(h)
    h = _conv(h, p['et_w2'], p['et_b2'], 1, 1)
    h = _res(h, p, 'et_r1'); h = _res(h, p, 'et_r2')
    enc_t = jax.nn.relu(h)

    ind_t, quant_t, diff_t = _quantize_nchw(
        enc_t, p['qct_w'], p['qct_b'], p['embed_t'], block_rows=3136)

    h = _conv(quant_t, p['dt_w1'], p['dt_b1'], 1, 1)
    h = _res(h, p, 'dt_r1'); h = _res(h, p, 'dt_r2')
    h = jax.nn.relu(h)
    dec_t = _convT(h, p['dt_wt'], p['dt_bt'], 2, 1)
    cat_b = jnp.concatenate([dec_t, enc_b], axis=1)

    ind_b, quant_b, diff_b = _quantize_nchw(
        cat_b, p['qcb_w'], p['qcb_b'], p['embed_b'], block_rows=3136)

    up_t = _convT_subpixel(quant_t, p['up_wt'], p['up_bt'])
    quant = jnp.concatenate([up_t, quant_b], axis=1)
    h = _conv(quant, p['d_w1'], p['d_b1'], 1, 1)
    h = _res(h, p, 'd_r1'); h = _res(h, p, 'd_r2')
    h = jax.nn.relu(h)
    h = _convT_subpixel(h, p['d_wt1'], p['d_bt1']); h = jax.nn.relu(h)
    dec = _convT_subpixel(h, p['d_wt2'], p['d_bt2'])
    diff = diff_t[None] + diff_b[None]
    return dec, diff

# --- scband reference (transcript-rebuilt; emitter-appended) ---
"""Pipeline reference for scband-vqvae-24043226923942 (READ-ONLY COPY).

The authoritative reference and input builder live on the scoring server;
editing this copy changes nothing except your own understanding.
"""

import jax, jax.numpy as jnp
import numpy as np

def _conv(x, w, b, stride=1, pad=1):
    o = jax.lax.conv_general_dilated(x, w, (stride, stride), [(pad, pad), (pad, pad)], dimension_numbers=('NCHW', 'OIHW', 'NCHW'))
    return o + b[None, :, None, None]

def _convT(x, w, b, stride=2, pad=1):
    k = w.shape[2]
    p = k - 1 - pad
    o = jax.lax.conv_general_dilated(x, jnp.flip(w, (2, 3)), (1, 1), [(p, p), (p, p)], lhs_dilation=(stride, stride), dimension_numbers=('NCHW', 'OIHW', 'NCHW'))
    return o + b[None, :, None, None]

def _res(x, p, pre):
    h = jax.nn.relu(x)
    h = _conv(h, p[pre + '_w1'], p[pre + '_b1'], 1, 1)
    h = jax.nn.relu(h)
    h = _conv(h, p[pre + '_w2'], p[pre + '_b2'], 1, 0)
    return x + h

def _quantize(inp, embed):
    dim = embed.shape[0]
    flat = inp.reshape(-1, dim)
    dist = (flat ** 2).sum(1, keepdims=True) - 2.0 * flat @ embed + (embed ** 2).sum(0, keepdims=True)
    ind = jnp.argmax(-dist, axis=1)
    ind = ind.reshape(inp.shape[:-1])
    q = jnp.take(embed.T, ind, axis=0)
    diff = jnp.mean((jax.lax.stop_gradient(q) - inp) ** 2)
    q = inp + jax.lax.stop_gradient(q - inp)
    return q, diff, ind

def _forward(x, p):
    h = _conv(x, p['eb_w1'], p['eb_b1'], 2, 1); h = jax.nn.relu(h)
    h = _conv(h, p['eb_w2'], p['eb_b2'], 2, 1); h = jax.nn.relu(h)
    h = _conv(h, p['eb_w3'], p['eb_b3'], 1, 1)
    h = _res(h, p, 'eb_r1'); h = _res(h, p, 'eb_r2')
    enc_b = jax.nn.relu(h)
    h = _conv(enc_b, p['et_w1'], p['et_b1'], 2, 1); h = jax.nn.relu(h)
    h = _conv(h, p['et_w2'], p['et_b2'], 1, 1)
    h = _res(h, p, 'et_r1'); h = _res(h, p, 'et_r2')
    enc_t = jax.nn.relu(h)
    qt = _conv(enc_t, p['qct_w'], p['qct_b'], 1, 0).transpose(0, 2, 3, 1)
    qt, diff_t, _ = _quantize(qt, p['embed_t'])
    quant_t = qt.transpose(0, 3, 1, 2)
    h = _conv(quant_t, p['dt_w1'], p['dt_b1'], 1, 1)
    h = _res(h, p, 'dt_r1'); h = _res(h, p, 'dt_r2')
    h = jax.nn.relu(h)
    dec_t = _convT(h, p['dt_wt'], p['dt_bt'], 2, 1)
    cat_b = jnp.concatenate([dec_t, enc_b], axis=1)
    qb = _conv(cat_b, p['qcb_w'], p['qcb_b'], 1, 0).transpose(0, 2, 3, 1)
    qb, diff_b, _ = _quantize(qb, p['embed_b'])
    quant_b = qb.transpose(0, 3, 1, 2)
    up_t = _convT(quant_t, p['up_wt'], p['up_bt'], 2, 1)
    quant = jnp.concatenate([up_t, quant_b], axis=1)
    h = _conv(quant, p['d_w1'], p['d_b1'], 1, 1)
    h = _res(h, p, 'd_r1'); h = _res(h, p, 'd_r2')
    h = jax.nn.relu(h)
    h = _convT(h, p['d_wt1'], p['d_bt1'], 2, 1); h = jax.nn.relu(h)
    dec = _convT(h, p['d_wt2'], p['d_bt2'], 2, 1)
    diff = diff_t[None] + diff_b[None]
    return dec, diff

_W = {'eb_w1': (64, 2, 4, 4), 'eb_w2': (128, 64, 4, 4), 'eb_w3': (128, 128, 3, 3), 'eb_r1_w1': (32, 128, 3, 3), 'eb_r1_w2': (128, 32, 1, 1), 'eb_r2_w1': (32, 128, 3, 3), 'eb_r2_w2': (128, 32, 1, 1), 'et_w1': (64, 128, 4, 4), 'et_w2': (128, 64, 3, 3), 'et_r1_w1': (32, 128, 3, 3), 'et_r1_w2': (128, 32, 1, 1), 'et_r2_w1': (32, 128, 3, 3), 'et_r2_w2': (128, 32, 1, 1), 'qct_w': (64, 128, 1, 1), 'embed_t': (64, 512), 'dt_w1': (128, 64, 3, 3), 'dt_r1_w1': (32, 128, 3, 3), 'dt_r1_w2': (128, 32, 1, 1), 'dt_r2_w1': (32, 128, 3, 3), 'dt_r2_w2': (128, 32, 1, 1), 'dt_wt': (64, 128, 4, 4), 'qcb_w': (64, 192, 1, 1), 'embed_b': (64, 512), 'up_wt': (64, 64, 4, 4), 'd_w1': (128, 128, 3, 3), 'd_r1_w1': (32, 128, 3, 3), 'd_r1_w2': (128, 32, 1, 1), 'd_r2_w1': (32, 128, 3, 3), 'd_r2_w2': (128, 32, 1, 1), 'd_wt1': (64, 128, 4, 4), 'd_wt2': (1, 64, 4, 4)}
_B = {'eb_b1': (64,), 'eb_b2': (128,), 'eb_b3': (128,), 'eb_r1_b1': (32,), 'eb_r1_b2': (128,), 'eb_r2_b1': (32,), 'eb_r2_b2': (128,), 'et_b1': (64,), 'et_b2': (128,), 'et_r1_b1': (32,), 'et_r1_b2': (128,), 'et_r2_b1': (32,), 'et_r2_b2': (128,), 'qct_b': (64,), 'dt_b1': (128,), 'dt_r1_b1': (32,), 'dt_r1_b2': (128,), 'dt_r2_b1': (32,), 'dt_r2_b2': (128,), 'dt_bt': (64,), 'qcb_b': (64,), 'up_bt': (64,), 'd_b1': (128,), 'd_r1_b1': (32,), 'd_r1_b2': (128,), 'd_r2_b1': (32,), 'd_r2_b2': (128,), 'd_bt1': (64,), 'd_bt2': (1,)}

def setup_inputs(seed: int = 0):
    key = jax.random.key(seed)
    x = jax.random.normal(jax.random.fold_in(key, 0), (4, 2, 224, 224), dtype=jnp.float32)
    p = {}
    for i, (n, s) in enumerate(sorted(_W.items())):
        p[n] = jax.random.normal(jax.random.fold_in(key, i + 1), s, dtype=jnp.float32) * 0.05
    for n, s in _B.items():
        p[n] = jnp.zeros(s, dtype=jnp.float32)
    return {'input': x, 'params': p}

def reference(input, params):
    return _forward(input, params)

if __name__ == "__main__":
    import jax
    _d = setup_inputs()
    print(jax.jit(kernel)(*tuple(_d.values())))

</pallas_src>

<mosaic_0001>
#map = affine_map<(d0, d1) -> (0, 0)>
#map1 = affine_map<(d0, d1) -> (0)>
module attributes {stable_mosaic.version = 14 : i64} {
  func.func @k(%arg0: i32, %arg1: i32, %arg2: memref<512x64xf32, #tpu.memory_space<hbm>>, %arg3: memref<3328xi32, #tpu.memory_space<hbm>>, %arg4: memref<3328x64xf32, #tpu.memory_space<hbm>>, %arg5: memref<104xi32, #tpu.memory_space<vmem>>, %arg6: memref<104x64xf32, #tpu.memory_space<vmem>>, %arg7: memref<!tpu.dma_semaphore, #tpu.memory_space<semaphore_mem>>) attributes {dimension_semantics = [#tpu.dimension_semantics<core_parallel>, #tpu.dimension_semantics<subcore_parallel>], iteration_bounds = array<i64: 2, 16>, scalar_prefetch = 0 : i64, scratch_operands = 3 : i64, tpu.core_type = #tpu.core_type<sc_vector_subcore>, window_params = [{transform_indices = #map}, {transform_indices = #map1}, {transform_indices = #map}]} {
    %mul3A = arith.constant 2 : i32
    %mul3A_0 = arith.muli %arg1, %mul3A : i32
    %add3A = arith.addi %mul3A_0, %arg0 : i32
    %mul3A_1 = arith.constant 104 : i32
    %mul3A_2 = arith.muli %add3A, %mul3A_1 : i32
    "tpu.region"() ({
      %run_scoped3A = tpu.sem_alloc : memref<!tpu.dma_semaphore, #tpu.memory_space<semaphore_mem>>
      %dma_start3A_7 = tpu.memref_slice %arg3[%mul3A_2] : memref<3328xi32, #tpu.memory_space<hbm>> -> memref<104xi32, #tpu.memory_space<hbm>>
      %dma_start3A_8 = tpu.memref_slice %arg3[%mul3A_2] : memref<3328xi32, #tpu.memory_space<hbm>> -> memref<104xi32, #tpu.memory_space<hbm>>
      tpu.enqueue_dma source(%dma_start3A_8 : memref<104xi32, #tpu.memory_space<hbm>>) target(%arg5 : memref<104xi32, #tpu.memory_space<vmem>>) target_semaphore(%run_scoped3A : memref<!tpu.dma_semaphore, #tpu.memory_space<semaphore_mem>>)
      %dma_wait3A_9 = tpu.memref_slice %arg3[%mul3A_2] : memref<3328xi32, #tpu.memory_space<hbm>> -> memref<104xi32, #tpu.memory_space<hbm>>
      %dma_wait3A_10 = tpu.memref_slice %arg3[%mul3A_2] : memref<3328xi32, #tpu.memory_space<hbm>> -> memref<104xi32, #tpu.memory_space<hbm>>
      tpu.wait_dma2 semaphore(%run_scoped3A : memref<!tpu.dma_semaphore, #tpu.memory_space<semaphore_mem>>) src(%dma_wait3A_10 : memref<104xi32, #tpu.memory_space<hbm>>) dst(%arg5 : memref<104xi32, #tpu.memory_space<vmem>>)
      tpu.yield
    }) : () -> ()
    %dma_start3A = arith.constant 0 : i32
    %dma_start3A_3 = arith.constant 0 : i32
    %dma_start3A_4 = tpu.memref_slice %arg2[%dma_start3A, %dma_start3A_3] : memref<512x64xf32, #tpu.memory_space<hbm>> -> memref<512x64xf32, #tpu.memory_space<hbm>>
    tpu.enqueue_indirect_dma source(%dma_start3A_4 : memref<512x64xf32, #tpu.memory_space<hbm>>) target(%arg6 : memref<104x64xf32, #tpu.memory_space<vmem>>) offsets(%arg5 : memref<104xi32, #tpu.memory_space<vmem>>) semaphore(%arg7 : memref<!tpu.dma_semaphore, #tpu.memory_space<semaphore_mem>>)
    %dma_wait3A = arith.constant 0 : i32
    %dma_wait3A_5 = arith.constant 0 : i32
    %dma_wait3A_6 = tpu.memref_slice %arg2[%dma_wait3A, %dma_wait3A_5] : memref<512x64xf32, #tpu.memory_space<hbm>> -> memref<512x64xf32, #tpu.memory_space<hbm>>
    tpu.wait_indirect_dma semaphore(%arg7 : memref<!tpu.dma_semaphore, #tpu.memory_space<semaphore_mem>>) src(%dma_wait3A_6 : memref<512x64xf32, #tpu.memory_space<hbm>>) dst(%arg6 : memref<104x64xf32, #tpu.memory_space<vmem>>)
    "tpu.region"() ({
      %run_scoped3A = tpu.sem_alloc : memref<!tpu.dma_semaphore, #tpu.memory_space<semaphore_mem>>
      %dma_start3A_7 = arith.constant 0 : i32
      %dma_start3A_8 = tpu.memref_slice %arg4[%mul3A_2, %dma_start3A_7] : memref<3328x64xf32, #tpu.memory_space<hbm>> -> memref<104x64xf32, #tpu.memory_space<hbm>>
      %dma_start3A_9 = arith.constant 0 : i32
      %dma_start3A_10 = tpu.memref_slice %arg4[%mul3A_2, %dma_start3A_9] : memref<3328x64xf32, #tpu.memory_space<hbm>> -> memref<104x64xf32, #tpu.memory_space<hbm>>
      tpu.enqueue_dma source(%arg6 : memref<104x64xf32, #tpu.memory_space<vmem>>) target(%dma_start3A_10 : memref<104x64xf32, #tpu.memory_space<hbm>>) target_semaphore(%run_scoped3A : memref<!tpu.dma_semaphore, #tpu.memory_space<semaphore_mem>>)
      %dma_wait3A_11 = arith.constant 0 : i32
      %dma_wait3A_12 = tpu.memref_slice %arg4[%mul3A_2, %dma_wait3A_11] : memref<3328x64xf32, #tpu.memory_space<hbm>> -> memref<104x64xf32, #tpu.memory_space<hbm>>
      %dma_wait3A_13 = arith.constant 0 : i32
      %dma_wait3A_14 = tpu.memref_slice %arg4[%mul3A_2, %dma_wait3A_13] : memref<3328x64xf32, #tpu.memory_space<hbm>> -> memref<104x64xf32, #tpu.memory_space<hbm>>
      tpu.wait_dma2 semaphore(%run_scoped3A : memref<!tpu.dma_semaphore, #tpu.memory_space<semaphore_mem>>) src(%arg6 : memref<104x64xf32, #tpu.memory_space<vmem>>) dst(%dma_wait3A_14 : memref<104x64xf32, #tpu.memory_space<hbm>>)
      tpu.yield
    }) : () -> ()
    return
  }
}

#map = affine_map<(d0, d1) -> (0, 0)>
#map1 = affine_map<(d0, d1) -> (0)>
module attributes {stable_mosaic.version = 14 : i64} {
  func.func @k(%arg0: i32, %arg1: i32, %arg2: memref<512x64xf32, #tpu.memory_space<hbm>>, %arg3: memref<12544xi32, #tpu.memory_space<hbm>>, %arg4: memref<12544x64xf32, #tpu.memory_space<hbm>>, %arg5: memref<392xi32, #tpu.memory_space<vmem>>, %arg6: memref<392x64xf32, #tpu.memory_space<vmem>>, %arg7: memref<!tpu.dma_semaphore, #tpu.memory_space<semaphore_mem>>) attributes {dimension_semantics = [#tpu.dimension_semantics<core_parallel>, #tpu.dimension_semantics<subcore_parallel>], iteration_bounds = array<i64: 2, 16>, scalar_prefetch = 0 : i64, scratch_operands = 3 : i64, tpu.core_type = #tpu.core_type<sc_vector_subcore>, window_params = [{transform_indices = #map}, {transform_indices = #map1}, {transform_indices = #map}]} {
    %mul3A = arith.constant 2 : i32
    %mul3A_0 = arith.muli %arg1, %mul3A : i32
    %add3A = arith.addi %mul3A_0, %arg0 : i32
    %mul3A_1 = arith.constant 392 : i32
    %mul3A_2 = arith.muli %add3A, %mul3A_1 : i32
    "tpu.region"() ({
      %run_scoped3A = tpu.sem_alloc : memref<!tpu.dma_semaphore, #tpu.memory_space<semaphore_mem>>
      %dma_start3A_7 = tpu.memref_slice %arg3[%mul3A_2] : memref<12544xi32, #tpu.memory_space<hbm>> -> memref<392xi32, #tpu.memory_space<hbm>>
      %dma_start3A_8 = tpu.memref_slice %arg3[%mul3A_2] : memref<12544xi32, #tpu.memory_space<hbm>> -> memref<392xi32, #tpu.memory_space<hbm>>
      tpu.enqueue_dma source(%dma_start3A_8 : memref<392xi32, #tpu.memory_space<hbm>>) target(%arg5 : memref<392xi32, #tpu.memory_space<vmem>>) target_semaphore(%run_scoped3A : memref<!tpu.dma_semaphore, #tpu.memory_space<semaphore_mem>>)
      %dma_wait3A_9 = tpu.memref_slice %arg3[%mul3A_2] : memref<12544xi32, #tpu.memory_space<hbm>> -> memref<392xi32, #tpu.memory_space<hbm>>
      %dma_wait3A_10 = tpu.memref_slice %arg3[%mul3A_2] : memref<12544xi32, #tpu.memory_space<hbm>> -> memref<392xi32, #tpu.memory_space<hbm>>
      tpu.wait_dma2 semaphore(%run_scoped3A : memref<!tpu.dma_semaphore, #tpu.memory_space<semaphore_mem>>) src(%dma_wait3A_10 : memref<392xi32, #tpu.memory_space<hbm>>) dst(%arg5 : memref<392xi32, #tpu.memory_space<vmem>>)
      tpu.yield
    }) : () -> ()
    %dma_start3A = arith.constant 0 : i32
    %dma_start3A_3 = arith.constant 0 : i32
    %dma_start3A_4 = tpu.memref_slice %arg2[%dma_start3A, %dma_start3A_3] : memref<512x64xf32, #tpu.memory_space<hbm>> -> memref<512x64xf32, #tpu.memory_space<hbm>>
    tpu.enqueue_indirect_dma source(%dma_start3A_4 : memref<512x64xf32, #tpu.memory_space<hbm>>) target(%arg6 : memref<392x64xf32, #tpu.memory_space<vmem>>) offsets(%arg5 : memref<392xi32, #tpu.memory_space<vmem>>) semaphore(%arg7 : memref<!tpu.dma_semaphore, #tpu.memory_space<semaphore_mem>>)
    %dma_wait3A = arith.constant 0 : i32
    %dma_wait3A_5 = arith.constant 0 : i32
    %dma_wait3A_6 = tpu.memref_slice %arg2[%dma_wait3A, %dma_wait3A_5] : memref<512x64xf32, #tpu.memory_space<hbm>> -> memref<512x64xf32, #tpu.memory_space<hbm>>
    tpu.wait_indirect_dma semaphore(%arg7 : memref<!tpu.dma_semaphore, #tpu.memory_space<semaphore_mem>>) src(%dma_wait3A_6 : memref<512x64xf32, #tpu.memory_space<hbm>>) dst(%arg6 : memref<392x64xf32, #tpu.memory_space<vmem>>)
    "tpu.region"() ({
      %run_scoped3A = tpu.sem_alloc : memref<!tpu.dma_semaphore, #tpu.memory_space<semaphore_mem>>
      %dma_start3A_7 = arith.constant 0 : i32
      %dma_start3A_8 = tpu.memref_slice %arg4[%mul3A_2, %dma_start3A_7] : memref<12544x64xf32, #tpu.memory_space<hbm>> -> memref<392x64xf32, #tpu.memory_space<hbm>>
      %dma_start3A_9 = arith.constant 0 : i32
      %dma_start3A_10 = tpu.memref_slice %arg4[%mul3A_2, %dma_start3A_9] : memref<12544x64xf32, #tpu.memory_space<hbm>> -> memref<392x64xf32, #tpu.memory_space<hbm>>
      tpu.enqueue_dma source(%arg6 : memref<392x64xf32, #tpu.memory_space<vmem>>) target(%dma_start3A_10 : memref<392x64xf32, #tpu.memory_space<hbm>>) target_semaphore(%run_scoped3A : memref<!tpu.dma_semaphore, #tpu.memory_space<semaphore_mem>>)
      %dma_wait3A_11 = arith.constant 0 : i32
      %dma_wait3A_12 = tpu.memref_slice %arg4[%mul3A_2, %dma_wait3A_11] : memref<12544x64xf32, #tpu.memory_space<hbm>> -> memref<392x64xf32, #tpu.memory_space<hbm>>
      %dma_wait3A_13 = arith.constant 0 : i32
      %dma_wait3A_14 = tpu.memref_slice %arg4[%mul3A_2, %dma_wait3A_13] : memref<12544x64xf32, #tpu.memory_space<hbm>> -> memref<392x64xf32, #tpu.memory_space<hbm>>
      tpu.wait_dma2 semaphore(%run_scoped3A : memref<!tpu.dma_semaphore, #tpu.memory_space<semaphore_mem>>) src(%arg6 : memref<392x64xf32, #tpu.memory_space<vmem>>) dst(%dma_wait3A_14 : memref<392x64xf32, #tpu.memory_space<hbm>>)
      tpu.yield
    }) : () -> ()
    return
  }
}

module attributes {stable_mosaic.version = 14 : i64} {
  func.func @_vq_body(%arg0: i32, %arg1: memref<3136x64xf32, #tpu.memory_space<vmem>>, %arg2: memref<64x512xf32, #tpu.memory_space<vmem>>, %arg3: memref<1x512xf32, #tpu.memory_space<vmem>>, %arg4: memref<3136x1xi32, #tpu.memory_space<vmem>>, %arg5: memref<1x1xf32, #tpu.memory_space<vmem>>) attributes {dimension_semantics = [#tpu.dimension_semantics<arbitrary>], iteration_bounds = array<i64: 1>, scalar_prefetch = 0 : i64, scratch_operands = 0 : i64, tpu.core_type = #tpu.core_type<tc>, window_params = [{transform_indices = @transform_0, window_bounds = array<i64: 3136, 64>}, {pipeline_mode = #tpu.pipeline_mode<synchronous>, transform_indices = @transform_1, window_bounds = array<i64: 64, 512>}, {pipeline_mode = #tpu.pipeline_mode<synchronous>, transform_indices = @transform_2, window_bounds = array<i64: 1, 512>}, {transform_indices = @transform_3, window_bounds = array<i64: 3136, 1>}, {pipeline_mode = #tpu.pipeline_mode<synchronous>, transform_indices = @transform_4, window_bounds = array<i64: 1, 1>}]} {
    %get3A = arith.constant 0 : index
    %get3A_0 = arith.constant 0 : index
    %get3A_1 = vector.load %arg1[%get3A, %get3A_0] : memref<3136x64xf32, #tpu.memory_space<vmem>>, vector<3136x64xf32>
    %mul3A = arith.mulf %get3A_1, %get3A_1 : vector<3136x64xf32>
    %reduce_sum3A = arith.constant dense<0.000000e+00> : vector<3136xf32>
    %reduce_sum3A_2 = vector.multi_reduction <add>, %mul3A, %reduce_sum3A [1] : vector<3136x64xf32> to vector<3136xf32>
    %broadcast_in_dim3A = vector.shape_cast %reduce_sum3A_2 : vector<3136xf32> to vector<3136x1xf32>
    %convert_element_type3A = arith.truncf %get3A_1 : vector<3136x64xf32> to vector<3136x64xbf16>
    %get3A_3 = arith.constant 0 : index
    %get3A_4 = arith.constant 0 : index
    %get3A_5 = vector.load %arg2[%get3A_3, %get3A_4] : memref<64x512xf32, #tpu.memory_space<vmem>>, vector<64x512xf32>
    %convert_element_type3A_6 = arith.truncf %get3A_5 : vector<64x512xf32> to vector<64x512xbf16>
    %dot_general3A = arith.constant dense<0.000000e+00> : vector<3136x512xf32>
    %dot_general3A_7 = tpu.matmul %convert_element_type3A, %convert_element_type3A_6, %dot_general3A {dimension_numbers = #tpu.dot_dimension_numbers<[1], [0], [0], [1], [0, 0, 1, 1], [], []>, transpose_lhs_hint = false} : vector<3136x64xbf16>, vector<64x512xbf16>, vector<3136x512xf32> -> vector<3136x512xf32>
    %mul3A_8 = arith.constant 2.000000e+00 : f32
    %mul3A_9 = vector.broadcast %mul3A_8 : f32 to vector<3136x512xf32>
    %mul3A_10 = arith.mulf %mul3A_9, %dot_general3A_7 : vector<3136x512xf32>
    %sub3A = vector.broadcast %broadcast_in_dim3A : vector<3136x1xf32> to vector<3136x512xf32>
    %sub3A_11 = arith.subf %sub3A, %mul3A_10 : vector<3136x512xf32>
    %get3A_12 = arith.constant 0 : index
    %get3A_13 = arith.constant 0 : index
    %get3A_14 = vector.load %arg3[%get3A_12, %get3A_13] : memref<1x512xf32, #tpu.memory_space<vmem>>, vector<1x512xf32>
    %add3A = vector.broadcast %get3A_14 : vector<1x512xf32> to vector<3136x512xf32>
    %add3A_15 = arith.addf %sub3A_11, %add3A : vector<3136x512xf32>
    %reduce_min3A = arith.constant dense<0x7F800000> : vector<3136xf32>
    %reduce_min3A_16 = vector.multi_reduction <minimumf>, %add3A_15, %reduce_min3A [1] : vector<3136x512xf32> to vector<3136xf32>
    %broadcast_in_dim3A_17 = vector.shape_cast %reduce_min3A_16 : vector<3136xf32> to vector<3136x1xf32>
    %iota3A = tpu.iota {dimensions = array<i32: 1>} : vector<3136x512xi32>
    %eq3A = vector.broadcast %broadcast_in_dim3A_17 : vector<3136x1xf32> to vector<3136x512xf32>
    %eq3A_18 = arith.cmpf oeq, %add3A_15, %eq3A : vector<3136x512xf32>
    %jit3A = arith.constant 512 : i32
    %broadcast_in_dim3A_19 = vector.broadcast %jit3A : i32 to vector<3136x512xi32>
    %select_n3A = arith.select %eq3A_18, %iota3A, %broadcast_in_dim3A_19 : vector<3136x512xi1>, vector<3136x512xi32>
    %reduce_min3A_20 = arith.constant dense<2147483647> : vector<3136xi32>
    %reduce_min3A_21 = vector.multi_reduction <minsi>, %select_n3A, %reduce_min3A_20 [1] : vector<3136x512xi32> to vector<3136xi32>
    %broadcast_in_dim3A_22 = vector.shape_cast %reduce_min3A_21 : vector<3136xi32> to vector<3136x1xi32>
    %swap3A = arith.constant 0 : index
    %swap3A_23 = arith.constant 0 : index
    %swap3A_24 = vector.load %arg4[%swap3A, %swap3A_23] : memref<3136x1xi32, #tpu.memory_space<vmem>>, vector<3136x1xi32>
    tpu.vector_store %arg4[%swap3A, %swap3A_23], %broadcast_in_dim3A_22 {strides = array<i32>} : memref<3136x1xi32, #tpu.memory_space<vmem>>, vector<3136x1xi32>,
    %reduce_sum3A_25 = vector.shape_cast %broadcast_in_dim3A_17 : vector<3136x1xf32> to vector<1x3136x1xf32>
    %reduce_sum3A_26 = arith.constant dense<0.000000e+00> : vector<1xf32>
    %reduce_sum3A_27 = vector.multi_reduction <add>, %reduce_sum3A_25, %reduce_sum3A_26 [1, 2] : vector<1x3136x1xf32> to vector<1xf32>
    %reduce_sum3A_28 = vector.shape_cast %reduce_sum3A_27 : vector<1xf32> to vector<1x1x1xf32>
    %reduce_sum3A_29 = vector.extract %reduce_sum3A_28[0, 0, 0] : f32 from vector<1x1x1xf32>
    %broadcast_in_dim3A_30 = arith.constant 1.000000e+00 : f32
    %broadcast_in_dim3A_31 = vector.broadcast %broadcast_in_dim3A_30 : f32 to vector<1x1xf32>
    %mul3A_32 = vector.broadcast %reduce_sum3A_29 : f32 to vector<1x1xf32>
    %mul3A_33 = arith.mulf %mul3A_32, %broadcast_in_dim3A_31 : vector<1x1xf32>
    %eq3A_34 = arith.constant 0 : i32
    %eq3A_35 = arith.cmpi eq, %arg0, %eq3A_34 : i32
    %convert_element_type3A_36 = arith.extui %eq3A_35 : i1 to i32
    %cond3A = arith.constant 0 : i32
    %cond3A_37 = arith.cmpi ne, %convert_element_type3A_36, %cond3A : i32
    scf.if %cond3A_37 {
      %broadcast_in_dim3A_45 = arith.constant 0.000000e+00 : f32
      %broadcast_in_dim3A_46 = vector.broadcast %broadcast_in_dim3A_45 : f32 to vector<1x1xf32>
      %swap3A_47 = arith.constant 0 : index
      %swap3A_48 = arith.constant 0 : index
      %swap3A_49 = vector.load %arg5[%swap3A_47, %swap3A_48] : memref<1x1xf32, #tpu.memory_space<vmem>>, vector<1x1xf32>
      tpu.vector_store %arg5[%swap3A_47, %swap3A_48], %broadcast_in_dim3A_46 {strides = array<i32>} : memref<1x1xf32, #tpu.memory_space<vmem>>, vector<1x1xf32>,
    } else {
    }
    %get3A_38 = arith.constant 0 : index
    %get3A_39 = arith.constant 0 : index
    %get3A_40 = vector.load %arg5[%get3A_38, %get3A_39] : memref<1x1xf32, #tpu.memory_space<vmem>>, vector<1x1xf32>
    %add3A_41 = arith.addf %get3A_40, %mul3A_33 : vector<1x1xf32>
    %swap3A_42 = arith.constant 0 : index
    %swap3A_43 = arith.constant 0 : index
    %swap3A_44 = vector.load %arg5[%swap3A_42, %swap3A_43] : memref<1x1xf32, #tpu.memory_space<vmem>>, vector<1x1xf32>
    tpu.vector_store %arg5[%swap3A_42, %swap3A_43], %add3A_41 {strides = array<i32>} : memref<1x1xf32, #tpu.memory_space<vmem>>, vector<1x1xf32>,
    return
  }
  func.func @transform_0(%arg0: i32) -> (i32, i32) {
    %c0_i32 = arith.constant 0 : i32
    %c0_i32_0 = arith.constant 0 : i32
    return %arg0, %c0_i32 : i32, i32
  }
  func.func @transform_1(%arg0: i32) -> (i32, i32) {
    %c0_i32 = arith.constant 0 : i32
    %c0_i32_0 = arith.constant 0 : i32
    %c0_i32_1 = arith.constant 0 : i32
    return %c0_i32, %c0_i32_0 : i32, i32
  }
  func.func @transform_2(%arg0: i32) -> (i32, i32) {
    %c0_i32 = arith.constant 0 : i32
    %c0_i32_0 = arith.constant 0 : i32
    %c0_i32_1 = arith.constant 0 : i32
    return %c0_i32, %c0_i32_0 : i32, i32
  }
  func.func @transform_3(%arg0: i32) -> (i32, i32) {
    %c0_i32 = arith.constant 0 : i32
    %c0_i32_0 = arith.constant 0 : i32
    return %arg0, %c0_i32 : i32, i32
  }
  func.func @transform_4(%arg0: i32) -> (i32, i32) {
    %c0_i32 = arith.constant 0 : i32
    %c0_i32_0 = arith.constant 0 : i32
    %c0_i32_1 = arith.constant 0 : i32
    return %c0_i32, %c0_i32_0 : i32, i32
  }
}

module attributes {stable_mosaic.version = 14 : i64} {
  func.func @_vq_body(%arg0: i32, %arg1: memref<3136x64xf32, #tpu.memory_space<vmem>>, %arg2: memref<64x512xf32, #tpu.memory_space<vmem>>, %arg3: memref<1x512xf32, #tpu.memory_space<vmem>>, %arg4: memref<3136x1xi32, #tpu.memory_space<vmem>>, %arg5: memref<1x1xf32, #tpu.memory_space<vmem>>) attributes {dimension_semantics = [#tpu.dimension_semantics<arbitrary>], iteration_bounds = array<i64: 4>, scalar_prefetch = 0 : i64, scratch_operands = 0 : i64, tpu.core_type = #tpu.core_type<tc>, window_params = [{transform_indices = @transform_0, window_bounds = array<i64: 3136, 64>}, {pipeline_mode = #tpu.pipeline_mode<synchronous>, transform_indices = @transform_1, window_bounds = array<i64: 64, 512>}, {pipeline_mode = #tpu.pipeline_mode<synchronous>, transform_indices = @transform_2, window_bounds = array<i64: 1, 512>}, {transform_indices = @transform_3, window_bounds = array<i64: 3136, 1>}, {pipeline_mode = #tpu.pipeline_mode<synchronous>, transform_indices = @transform_4, window_bounds = array<i64: 1, 1>}]} {
    %get3A = arith.constant 0 : index
    %get3A_0 = arith.constant 0 : index
    %get3A_1 = vector.load %arg1[%get3A, %get3A_0] : memref<3136x64xf32, #tpu.memory_space<vmem>>, vector<3136x64xf32>
    %mul3A = arith.mulf %get3A_1, %get3A_1 : vector<3136x64xf32>
    %reduce_sum3A = arith.constant dense<0.000000e+00> : vector<3136xf32>
    %reduce_sum3A_2 = vector.multi_reduction <add>, %mul3A, %reduce_sum3A [1] : vector<3136x64xf32> to vector<3136xf32>
    %broadcast_in_dim3A = vector.shape_cast %reduce_sum3A_2 : vector<3136xf32> to vector<3136x1xf32>
    %convert_element_type3A = arith.truncf %get3A_1 : vector<3136x64xf32> to vector<3136x64xbf16>
    %get3A_3 = arith.constant 0 : index
    %get3A_4 = arith.constant 0 : index
    %get3A_5 = vector.load %arg2[%get3A_3, %get3A_4] : memref<64x512xf32, #tpu.memory_space<vmem>>, vector<64x512xf32>
    %convert_element_type3A_6 = arith.truncf %get3A_5 : vector<64x512xf32> to vector<64x512xbf16>
    %dot_general3A = arith.constant dense<0.000000e+00> : vector<3136x512xf32>
    %dot_general3A_7 = tpu.matmul %convert_element_type3A, %convert_element_type3A_6, %dot_general3A {dimension_numbers = #tpu.dot_dimension_numbers<[1], [0], [0], [1], [0, 0, 1, 1], [], []>, transpose_lhs_hint = false} : vector<3136x64xbf16>, vector<64x512xbf16>, vector<3136x512xf32> -> vector<3136x512xf32>
    %mul3A_8 = arith.constant 2.000000e+00 : f32
    %mul3A_9 = vector.broadcast %mul3A_8 : f32 to vector<3136x512xf32>
    %mul3A_10 = arith.mulf %mul3A_9, %dot_general3A_7 : vector<3136x512xf32>
    %sub3A = vector.broadcast %broadcast_in_dim3A : vector<3136x1xf32> to vector<3136x512xf32>
    %sub3A_11 = arith.subf %sub3A, %mul3A_10 : vector<3136x512xf32>
    %get3A_12 = arith.constant 0 : index
    %get3A_13 = arith.constant 0 : index
    %get3A_14 = vector.load %arg3[%get3A_12, %get3A_13] : memref<1x512xf32, #tpu.memory_space<vmem>>, vector<1x512xf32>
    %add3A = vector.broadcast %get3A_14 : vector<1x512xf32> to vector<3136x512xf32>
    %add3A_15 = arith.addf %sub3A_11, %add3A : vector<3136x512xf32>
    %reduce_min3A = arith.constant dense<0x7F800000> : vector<3136xf32>
    %reduce_min3A_16 = vector.multi_reduction <minimumf>, %add3A_15, %reduce_min3A [1] : vector<3136x512xf32> to vector<3136xf32>
    %broadcast_in_dim3A_17 = vector.shape_cast %reduce_min3A_16 : vector<3136xf32> to vector<3136x1xf32>
    %iota3A = tpu.iota {dimensions = array<i32: 1>} : vector<3136x512xi32>
    %eq3A = vector.broadcast %broadcast_in_dim3A_17 : vector<3136x1xf32> to vector<3136x512xf32>
    %eq3A_18 = arith.cmpf oeq, %add3A_15, %eq3A : vector<3136x512xf32>
    %jit3A = arith.constant 512 : i32
    %broadcast_in_dim3A_19 = vector.broadcast %jit3A : i32 to vector<3136x512xi32>
    %select_n3A = arith.select %eq3A_18, %iota3A, %broadcast_in_dim3A_19 : vector<3136x512xi1>, vector<3136x512xi32>
    %reduce_min3A_20 = arith.constant dense<2147483647> : vector<3136xi32>
    %reduce_min3A_21 = vector.multi_reduction <minsi>, %select_n3A, %reduce_min3A_20 [1] : vector<3136x512xi32> to vector<3136xi32>
    %broadcast_in_dim3A_22 = vector.shape_cast %reduce_min3A_21 : vector<3136xi32> to vector<3136x1xi32>
    %swap3A = arith.constant 0 : index
    %swap3A_23 = arith.constant 0 : index
    %swap3A_24 = vector.load %arg4[%swap3A, %swap3A_23] : memref<3136x1xi32, #tpu.memory_space<vmem>>, vector<3136x1xi32>
    tpu.vector_store %arg4[%swap3A, %swap3A_23], %broadcast_in_dim3A_22 {strides = array<i32>} : memref<3136x1xi32, #tpu.memory_space<vmem>>, vector<3136x1xi32>,
    %reduce_sum3A_25 = vector.shape_cast %broadcast_in_dim3A_17 : vector<3136x1xf32> to vector<1x3136x1xf32>
    %reduce_sum3A_26 = arith.constant dense<0.000000e+00> : vector<1xf32>
    %reduce_sum3A_27 = vector.multi_reduction <add>, %reduce_sum3A_25, %reduce_sum3A_26 [1, 2] : vector<1x3136x1xf32> to vector<1xf32>
    %reduce_sum3A_28 = vector.shape_cast %reduce_sum3A_27 : vector<1xf32> to vector<1x1x1xf32>
    %reduce_sum3A_29 = vector.extract %reduce_sum3A_28[0, 0, 0] : f32 from vector<1x1x1xf32>
    %broadcast_in_dim3A_30 = arith.constant 1.000000e+00 : f32
    %broadcast_in_dim3A_31 = vector.broadcast %broadcast_in_dim3A_30 : f32 to vector<1x1xf32>
    %mul3A_32 = vector.broadcast %reduce_sum3A_29 : f32 to vector<1x1xf32>
    %mul3A_33 = arith.mulf %mul3A_32, %broadcast_in_dim3A_31 : vector<1x1xf32>
    %eq3A_34 = arith.constant 0 : i32
    %eq3A_35 = arith.cmpi eq, %arg0, %eq3A_34 : i32
    %convert_element_type3A_36 = arith.extui %eq3A_35 : i1 to i32
    %cond3A = arith.constant 0 : i32
    %cond3A_37 = arith.cmpi ne, %convert_element_type3A_36, %cond3A : i32
    scf.if %cond3A_37 {
      %broadcast_in_dim3A_45 = arith.constant 0.000000e+00 : f32
      %broadcast_in_dim3A_46 = vector.broadcast %broadcast_in_dim3A_45 : f32 to vector<1x1xf32>
      %swap3A_47 = arith.constant 0 : index
      %swap3A_48 = arith.constant 0 : index
      %swap3A_49 = vector.load %arg5[%swap3A_47, %swap3A_48] : memref<1x1xf32, #tpu.memory_space<vmem>>, vector<1x1xf32>
      tpu.vector_store %arg5[%swap3A_47, %swap3A_48], %broadcast_in_dim3A_46 {strides = array<i32>} : memref<1x1xf32, #tpu.memory_space<vmem>>, vector<1x1xf32>,
    } else {
    }
    %get3A_38 = arith.constant 0 : index
    %get3A_39 = arith.constant 0 : index
    %get3A_40 = vector.load %arg5[%get3A_38, %get3A_39] : memref<1x1xf32, #tpu.memory_space<vmem>>, vector<1x1xf32>
    %add3A_41 = arith.addf %get3A_40, %mul3A_33 : vector<1x1xf32>
    %swap3A_42 = arith.constant 0 : index
    %swap3A_43 = arith.constant 0 : index
    %swap3A_44 = vector.load %arg5[%swap3A_42, %swap3A_43] : memref<1x1xf32, #tpu.memory_space<vmem>>, vector<1x1xf32>
    tpu.vector_store %arg5[%swap3A_42, %swap3A_43], %add3A_41 {strides = array<i32>} : memref<1x1xf32, #tpu.memory_space<vmem>>, vector<1x1xf32>,
    return
  }
  func.func @transform_0(%arg0: i32) -> (i32, i32) {
    %c0_i32 = arith.constant 0 : i32
    %c0_i32_0 = arith.constant 0 : i32
    return %arg0, %c0_i32 : i32, i32
  }
  func.func @transform_1(%arg0: i32) -> (i32, i32) {
    %c0_i32 = arith.constant 0 : i32
    %c0_i32_0 = arith.constant 0 : i32
    %c0_i32_1 = arith.constant 0 : i32
    return %c0_i32, %c0_i32_0 : i32, i32
  }
  func.func @transform_2(%arg0: i32) -> (i32, i32) {
    %c0_i32 = arith.constant 0 : i32
    %c0_i32_0 = arith.constant 0 : i32
    %c0_i32_1 = arith.constant 0 : i32
    return %c0_i32, %c0_i32_0 : i32, i32
  }
  func.func @transform_3(%arg0: i32) -> (i32, i32) {
    %c0_i32 = arith.constant 0 : i32
    %c0_i32_0 = arith.constant 0 : i32
    return %arg0, %c0_i32 : i32, i32
  }
  func.func @transform_4(%arg0: i32) -> (i32, i32) {
    %c0_i32 = arith.constant 0 : i32
    %c0_i32_0 = arith.constant 0 : i32
    %c0_i32_1 = arith.constant 0 : i32
    return %c0_i32, %c0_i32_0 : i32, i32
  }
}

</mosaic_0001>

<sc_bundles>
// kernel: kernel.6.cloned.1.call-start
scs
__scs_entry_jumppad:
0x0: {  	(pc) =	sbr.rel $0x88, $3  }
0x1: {  	(tag) =	ssettag $0x0;
	lr =	simm.s32 $0x1  }
0x2: {  	[smem:$0x3F64] =	sst lr;
	_ =	strace $0xD0000000  }
0x3: {  	_ = 	snop  }
0x4: {  	_ = 	snop  }
0x5: {  	_ = 	snop  }
0x6: {  	_ = 	snop  }
0x7: {  	_ = 	snop  }
__scs_overlays_trampoline_lowered:
0x8: {  	[smem:$0x3F73] =	sst s0  }
0x9: {  	[smem:$0x3F74] =	sst s1  }
0xa: {  	[smem:$0x3F75] =	sst s2  }
0xb: {  	[smem:$0x3F76] =	sst s3  }
0xc: {  	[smem:$0x3F77] =	sst s4  }
0xd: {  	[smem:$0x3F78] =	sst s5  }
0xe: {  	[smem:$0x3F79] =	sst s6  }
0xf: {  	[smem:$0x3F7A] =	sst s7  }
0x10: {  	[smem:$0x3F7B] =	sst s8  }
0x11: {  	[smem:$0x3F7C] =	sst s9;
	s0 =	simm.s32 @!p0 $0x0  }
0x12: {  	s1 =	sld [smem:$0x3F62];
	s0 =	simm.s32 @p0 $0x1  }
0x13: {  	[smem:$0x3F7D] =	sst s0;
	s0 =	simm.s32 @!p1 $0x0  }
0x14: {  	s2 =	sld [smem:$0x3F61];
	s0 =	simm.s32 @p1 $0x1  }
0x15: {  	[smem:$0x3F7E] =	sst s0;
	s0 =	simm.s32 @!p2 $0x0  }
0x16: {  	s3 =	sld [smem:$0x3FDB];
	s0 =	simm.s32 @p2 $0x1  }
0x17: {  	s4 =	simm.s32 $0x1BF5;
	[smem:$0x3F80] =	sst s0  }
0x18: {  	s0 =	sld [smem:$0x3F63];
	_ =	swait.ge [sflag:s4], $0x0  }
0x19: {  	s7 =	sld [smem:$0x3F64]  }
0x1a: {  	s8 =	sadd.s32 $0xFFFFE003, lr  }
0x1b: {  	s9 =	sadd.s32 $0xFFFFFEF7, lr;
	s5 =	simm.s32 $0xFFFFFFFF;
	p2 =	slt.u32 s8, $0xFFFFF086  }
0x1c: {  	p1 =	slt.u32 s9, $0xF7A;
	s5 =	simm.s32 @!p2 $0x0  }
0x1d: {  	s5 =	simm.s32 @p1 $0x1;
	p0 =	seq.s32 s7, s2  }
0x1e: {  	s7 =	smul.u32 @!p0 $0xF7A, s2;
	p2 =	seq.s32 @!p0 s5, $0x0  }
0x1f: {  	s9 =	smul.u32 $0xF7A, s1;
	s8 =	simm.s32 @!p0 $0x1BF5;
	p2 =	por !p2, p0  }
0x20: {  	[sflag:s8] =	ssyncset.s32 @!p0 $0xFFFFF086;
	s6 =	sadd.s32 @!p0 s3, s7;
	s7 =	simm.s32 @!p0 $0x108  }
0x21: {  	s3 =	sadd.s32 s3, s9;
	s6 =	sadd.s32 @!p0 $0x88, s6;
	s7 =	simm.s32 @p2 $0x1082  }
0x22: {  	[simem:s7], [sflag:s8] =	dma.local @!p0 [hbm:s6], $0xF7A  }
0x23: {  	s9 =	sor.u32 $0xD0000000, s2;
	s6 =	simm.s32 $0x108;
	_ =	swait.ge @!p0 [sflag:s8], $0x0  }
0x24: {  	s3 =	sadd.s32 $0x88, s3;
	s6 =	simm.s32 @!p1 $0x1082;
	[sflag:s4] =	ssyncset.s32 $0xFFFFF086  }
0x25: {  	[simem:s6], [sflag:s4] =	dma.local [hbm:s3], $0xF7A  }
0x26: {  	[smem:$0x3F64] =	sst s1;
	(tag) =	ssettag s2;
	_ =	strace s9  }
0x27: {  	s1 =	sld [smem:$0x3F74]  }
0x28: {  	s2 =	sld [smem:$0x3F75]  }
0x29: {  	s4 =	sld [smem:$0x3F77]  }
0x2a: {  	p0 =	seq.s32 s5, $0x0;
	s5 =	sld [smem:$0x3F78]  }
0x2b: {  	s6 =	sld [smem:$0x3F79]  }
0x2c: {  	s7 =	sld [smem:$0x3F7A]  }
0x2d: {  	s3 =	simm.s32 $0x108;
	s8 =	sld [smem:$0x3F7B]  }
0x2e: {  	s3 =	simm.s32 @!p0 $0x1082;
	s9 =	sld [smem:$0x3F7C]  }
0x2f: {  	lr =	sadd.s32 s0, s3;
	s0 =	sld [smem:$0x3F73]  }
0x30: {  	s3 =	sld [smem:$0x3F76]  }
0x31: {  	[smem:$0x3F7F] =	sst s10  }
0x32: {  	s10 =	sld [smem:$0x3F7D];
	_ =	sdelay $0x3  }
0x33: {  	p0 =	seq.s32 s10, $0x1;
	s10 =	sld [smem:$0x3F7F];
	_ =	sdelay $0x3  }
0x34: {  	[smem:$0x3F7F] =	sst s10  }
0x35: {  	s10 =	sld [smem:$0x3F7E];
	_ =	sdelay $0x3  }
0x36: {  	p1 =	seq.s32 s10, $0x1;
	s10 =	sld [smem:$0x3F7F];
	_ =	sdelay $0x3  }
0x37: {  	[smem:$0x3F7F] =	sst s10  }
0x38: {  	s10 =	sld [smem:$0x3F80]  }
0x39: {  	_ = 	snop;
	(pc) =	sbr.ind lr, $3  }
0x3a: {  	_ = 	snop  }
0x3b: {  	_ = 	snop  }
0x3c: {  	p2 =	seq.s32 s10, $0x1;
	s10 =	sld [smem:$0x3F7F]  }
0x3d: {  	_ =	shalt  }
0x3e: {  	_ =	shalt  }
0x3f: {  	_ =	shalt  }
0x40: {  	_ =	shalt  }
0x41: {  	_ =	shalt  }
0x42: {  	_ =	shalt  }
0x43: {  	_ =	shalt  }
0x44: {  	_ =	shalt  }
0x45: {  	_ =	shalt  }
0x46: {  	_ =	shalt  }
0x47: {  	_ =	shalt  }
0x48: {  	_ =	shalt  }
0x49: {  	_ =	shalt  }
0x4a: {  	_ =	shalt  }
0x4b: {  	_ =	shalt  }
0x4c: {  	_ =	shalt  }
0x4d: {  	_ =	shalt  }
0x4e: {  	_ =	shalt  }
0x4f: {  	_ =	shalt  }
0x50: {  	_ =	shalt  }
0x51: {  	_ =	shalt  }
0x52: {  	_ =	shalt  }
0x53: {  	_ =	shalt  }
0x54: {  	_ =	shalt  }
0x55: {  	_ =	shalt  }
0x56: {  	_ =	shalt  }
0x57: {  	_ =	shalt  }
0x58: {  	_ =	shalt  }
0x59: {  	_ =	shalt  }
0x5a: {  	_ =	shalt  }
0x5b: {  	_ =	shalt  }
0x5c: {  	_ =	shalt  }
0x5d: {  	_ =	shalt  }
0x5e: {  	_ =	shalt  }
0x5f: {  	_ =	shalt  }
0x60: {  	_ =	shalt  }
0x61: {  	_ =	shalt  }
0x62: {  	_ =	shalt  }
0x63: {  	_ =	shalt  }
0x64: {  	_ =	shalt  }
0x65: {  	_ =	shalt  }
0x66: {  	_ =	shalt  }
0x67: {  	_ =	shalt  }
0x68: {  	_ =	shalt  }
0x69: {  	_ =	shalt  }
0x6a: {  	_ =	shalt  }
0x6b: {  	_ =	shalt  }
0x6c: {  	_ =	shalt  }
0x6d: {  	_ =	shalt  }
0x6e: {  	_ =	shalt  }
0x6f: {  	_ =	shalt  }
0x70: {  	_ =	shalt  }
0x71: {  	_ =	shalt  }
0x72: {  	_ =	shalt  }
0x73: {  	_ =	shalt  }
0x74: {  	_ =	shalt  }
0x75: {  	_ =	shalt  }
0x76: {  	_ =	shalt  }
0x77: {  	_ =	shalt  }
0x78: {  	_ =	shalt  }
0x79: {  	_ =	shalt  }
0x7a: {  	_ =	shalt  }
0x7b: {  	_ =	shalt  }
0x7c: {  	_ =	shalt  }
0x7d: {  	_ =	shalt  }
0x7e: {  	_ =	shalt  }
0x7f: {  	_ =	shalt  }
0x80: {  	_ =	shalt  }
0x81: {  	_ =	shalt  }
0x82: {  	_ =	shalt  }
0x83: {  	_ =	shalt  }
0x84: {  	_ =	shalt  }
0x85: {  	_ =	shalt  }
0x86: {  	_ =	shalt  }
0x87: {  	_ =	shalt  }
.Lfunc_end0:
.L_simem_size_0:
called_computation_lowered:
.L_overlay_start_0:
0x88: {  	s2 =	sld [smem:$0x3FD9]  }
0x89: {  	s3 =	sld [smem:$0x3FFE];
	_ =	sdelay $0x1  }
0x8a: {  	s1 =	srdreg.scid  }
0x8b: {  	s0 =	sand.u32 $0x1, s1  }
0x8c: {  	s14 =	sshll.u32 s0, $0xA;
	s2 =	sadd.s32 s3, s2  }
0x8d: {  	s2 =	sadd.s32 s2, s14  }
0x8e: {  	[smem:$0x3F8B] =	sst s2  }
0x8f: {  	_ = 	snop  }
0x90: {  	s2 =	sld [smem:$0x3FD0];
	_ =	sdelay $0x2  }
0x91: {  	s15 =	simm.s32 $0xA;
	s4 =	simm.s32 $0x10  }
0x92: {  	[smem:s4], [sflag:s15] =	dma.local [hbm:s2], $0x1  }
0x93: {  	_ =	swait.eq [sflag:s15], $0x1  }
0x94: {  	[sflag:s15] =	ssyncset.done $0x0  }
0x95: {  	[sflag:s15] =	ssyncadd.s32 $0xFFFFFFFF  }
0x96: {  	s16 =	sld [smem:$0x10];
	(tm) =	ssettm $0x1  }
0x97: {  	s17 =	sld [smem:$0x3FFB];
	_ =	sdelay $0x3  }
0x98: {  	_ =	strace s17  }
0x99: {  	s3 =	sld [smem:$0x3FFC];
	_ =	sdelay $0x3  }
0x9a: {  	_ =	strace s3  }
0x9b: {  	s3 =	sld [smem:$0x3FFD];
	_ =	sdelay $0x3  }
0x9c: {  	_ =	strace s3  }
0x9d: {  	_ =	strace $0x8FFFFFFF  }
0x9e: {  	s18 =	sld [smem:$0x3FDB];
	_ =	sdelay $0x1  }
0x9f: {  	s19 =	simm.s32 $_scs_section_size  }
0xa0: {  	s5 =	simm.s32 $_size__tile_overlayer_lowered;
	s6 =	simm.s32 $_tile_overlayer_lowered  }
0xa1: {  	s22 =	simm.s32 $0x1BFF;
	s21 =	sshll.u32 s6, $0x1;
	s3 =	sadd.s32 s19, s18  }
0xa2: {  	s7 =	simm.s32 $0x0;
	s20 =	sshll.u32 s5, $0x1;
	s5 =	sadd.s32 s21, s3  }
0xa3: {  	[timem:s7], [sflag:s22] =	dma.local [hbm:s5], s20  }
0xa4: {  	_ =	swait.ge [sflag:s22], s20  }
0xa5: {  	s4 =	ssub.s32 $0x0, s20;
	[sflag:s22] =	ssyncset.done $0x0  }
0xa6: {  	[sflag:s22] =	ssyncadd.s32 s4;
	_ =	sdelay $0x1  }
0xa7: {  	s23 =	simm.s32 $0x1B8B  }
0xa8: {  	_ =	swait.ge [sflag:s23], $0x1  }
0xa9: {  	[sflag:s23] =	ssyncset.done $0x0  }
0xaa: {  	s25 =	simm.s32 $0x1B8E;
	s24 =	sld [smem:$0x3FFE];
	[sflag:s23] =	ssyncadd.s32 $0xFFFFFFFF  }
0xab: {  	s26 =	simm.s32 $execute0_lowered;
	[smem:$0x3FD2] =	sst s25  }
0xac: {  	s5 =	sshll.u32 s26, $0x1;
	_ =	strace $0x80000046;
	[dreg:$0x1] =	wrdreg $0xFFFFFFFF  }
0xad: {  	s28 =	simm.s32 $_size_execute0_lowered;
	s3 =	sadd.s32 s3, s5;
	[dreg:$0x0] =	wrdreg $0x0  }
0xae: {  	s5 =	sshll.u32 s28, $0x1;
	[dreg:$0x2] =	wrdreg s3  }
0xaf: {  	[dreg:$0x3] =	wrdreg s5  }
0xb0: {  	[dreg:$0x4] =	wrdreg $0xC0  }
0xb1: {  	_ =	task [dreg:s7], $0x5FFFF  }
0xb2: {  	[dreg:$0x1] =	wrdreg $0xFFFFFFFF  }
0xb3: {  	[dreg:$0x0] =	wrdreg $0x60  }
0xb4: {  	[dreg:$0x2] =	wrdreg s24  }
0xb5: {  	[dreg:$0x3] =	wrdreg s16  }
0xb6: {  	[dreg:$0x4] =	wrdreg $0x9  }
0xb7: {  	_ =	task.clear_ibuf [dreg:s7], $0x5FFFF;
	_ =	strace $0x90000046  }
0xb8: {  	s29 =	simm.s32 $0x9;
	_ =	strace $0x80000048  }
0xb9: {  	_ =	swait.ge [sflag:s29], $0x1  }
0xba: {  	[sflag:s29] =	ssyncadd.s32 $0xFFFFFFFF  }
0xbb: {  	_ =	strace $0x90000048  }
0xbc: {  	_ =	sfence  }
0xbd: {  	s30 =	sld [smem:$0x0];
	_ =	sdelay $0x2  }
0xbe: {  	s31 =	sshll.u32 s1, $0xD;
	s1 =	sshrl.u32 s1, $0x2  }
0xbf: {  	s3 =	sand.u32 $0x4000, s31;
	s1 =	sadd.s32 s1, s30  }
0xc0: {  	s0 =	sor.u32 s3, s0;
	s1 =	sshll.u32 s1, $0x11  }
0xc1: {  	s0 =	sor.u32 s1, s0  }
0xc2: {  	s0 =	sadd.s32 $0x8F2B, s0  }
0xc3: {  	[sflag:s0] =	ssyncadd.remote.s32 $0x1  }
0xc4: {  	_ =	sfence.sel $0xFFFF  }
0xc5: {  	[dreg:$0x0] =	wrdreg $0xFFFFFFFF;
	(pc) =	sbr.abs _section_cstart, $3  }
0xc6: {  	[dreg:$0x1] =	wrdreg $0xFFFFFFFF  }
0xc7: {  	_ =	task.clear_ibuf [dreg:s7], $0x2FFFF;
	_ =	strace $0x9FFFFFFF  }
0xc8: {  	(tm) =	ssettm $0x7FFFFFFF  }
0xc9: {  	_ =	shalt  }
tec
execute0_lowered:
.L_overlay_start_1:
0x0: {  	(tag) =	ssettag $0x1  }
0x1: {  	s1 =	srdreg.scid;
	s0 =	stileid.u32  }
0x2: {  	s6 =	sand.u32 $0x1, s1;
	s30 =	sshll.u32 s0, $0x1  }
0x3: {  	s5 =	rddreg [dreg:$0x0];
	s8 =	sor.u32 s6, s30  }
0x4: {  	s9 =	rddreg [dreg:$0x1];
	s2 =	simm.s32 $0x0;
	s3 =	smul.u32 $0xD, s8  }
0x5: {  	[smem:$0x7FF] =	sst s2  }
0x6: {  	s1 =	rddreg [dreg:$0x2];
	_ =	strace $0x80000047;
	s3 =	sadd.s32 s3, s5  }
0x7: {  	s10 =	ssub.s32 $0x2, s6;
	s4 =	sadd.s32 $0xA600, s3;
	s3 =	simm.s32 $0x2  }
0x8: {  	[tilespmem:s2], [sflag:$0x2] =	stream.linear.gather [hbm4b:s4+s2], $0x68, $0x38;
	[tilespmem:$0x1A68] =	vst v63  }
0x9: {  	s7 =	simm.s32 $0x1;
	s11 =	sshrl.u32 s10, $0x1;
	_ =	swait.ge [sflag:s3], $0x68  }
0xa: {  	s6 =	simm.s32 $0x68;
	s10 =	ssub.s32 s10, s11;
	[sflag:s3] =	ssyncset.done $0x0  }
0xb: {  	s5 =	sadd.s32 $0x9600, s5;
	s31 =	smax.u32 s10, $0x1;
	[sflag:s3] =	ssyncadd.s32 $0xFFFFFF98  }
0xc: {  	[tilespmem:s6], [sflag:$0x1] =	stream.indirect.gather [hbm4b:s5+s6], $0x40, s2, s6, $0xb8;
	[tilespmem:$0x1A68] =	vst v63  }
0xd: {  	s8 =	smul.u32 $0x340, s8;
	p0 =	sne.s32 s31, $0x1;
	_ =	swait.ge [sflag:s7], $0x1A00  }
.Ltmp0:
0xe: {  	[sflag:s7] =	ssyncset.done $0x0;
	(pc) =	sbr.rel @!p0 .LBB2_2-.Ltmp0, $4  }
0xf: {  	s8 =	sadd.s32 s9, s8;
	[sflag:s7] =	ssyncadd.s32 $0xFFFFE600  }
0x10: {  	[hbm4b:s8+s2] =	stream.linear.scatter [tilespmem:s6], [sflag:$0x2], $0x1A00, $0x38;
	[tilespmem:$0x1A68] =	vst v63  }
0x11: {  	_ =	swait.ge [sflag:s3], $0x1A00  }
0x12: {  	s9 =	sadd.s32 $0xFFFFFFFF, s31;
	[sflag:s3] =	ssyncset.done $0x0  }
.LBB2_1:
0x13: {  	p0 =	sne.s32 s9, $0x1;
	s9 =	sadd.s32 $0xFFFFFFFF, s9;
	[sflag:s3] =	ssyncadd.s32 $0xFFFFE600  }
0x14: {  	[tilespmem:s2], [sflag:$0x2] =	stream.linear.gather [hbm4b:s4+s2], $0x68, $0x38;
	[tilespmem:$0x1A68] =	vst v63  }
0x15: {  	_ =	swait.ge [sflag:s3], $0x68  }
0x16: {  	[sflag:s3] =	ssyncset.done $0x0  }
0x17: {  	[sflag:s3] =	ssyncadd.s32 $0xFFFFFF98  }
0x18: {  	[tilespmem:s6], [sflag:$0x1] =	stream.indirect.gather [hbm4b:s5+s6], $0x40, s2, s6, $0xb8;
	[tilespmem:$0x1A68] =	vst v63  }
0x19: {  	_ =	swait.ge [sflag:s7], $0x1A00  }
.Ltmp1:
0x1a: {  	[sflag:s7] =	ssyncset.done $0x0;
	(pc) =	sbr.rel @p0 .LBB2_1-.Ltmp1, $4  }
0x1b: {  	[sflag:s7] =	ssyncadd.s32 $0xFFFFE600  }
0x1c: {  	[hbm4b:s8+s2] =	stream.linear.scatter [tilespmem:s6], [sflag:$0x2], $0x1A00, $0x38;
	[tilespmem:$0x1A68] =	vst v63  }
0x1d: {  	_ =	swait.ge [sflag:s3], $0x1A00  }
0x1e: {  	[sflag:s3] =	ssyncset.done $0x0  }
.LBB2_2:
0x1f: {  	[sflag:s3] =	ssyncadd.s32 $0xFFFFE600  }
0x20: {  	_ =	sfence.sel $0x180000  }
0x21: {  	[bflag:$0x0] =	sbarrier.arrive $0xFFFF  }
0x22: {  	p0 =	sne.s32 s0, $0x0;
	_ =	strace $0x90000047  }
0x23: {  	s0 =	sadd.s32 @!p0 $0x100000, s1;
	[bflag:$0x2] =	sbarrier.arrive $0xFFFF  }
0x24: {  	[sflag:s0] =	ssyncadd.tile.s32 @!p0 $0x1;
	_ =	shalt  }
.Lfunc_end2:
_tile_overlayer_lowered:
.L_overlay_start_2:
0x25: {  	(tag) =	ssettag $0x2  }
0x26: {  	s0 =	rddreg [dreg:$0x0];
	s2 =	stileid.u32  }
0x27: {  	s1 =	rddreg [dreg:$0x1];
	p0 =	sne.s32 s2, $0x0  }
0x28: {  	s3 =	rddreg [dreg:$0x2];
	[bflag:$0x3] =	sbarrier.arrive $0xFFFF;
	s2 =	simm.s32 @!p0 $0x1C02  }
0x29: {  	[timem:s3], [sflag:s2] =	dma.local @!p0 [hbm:s0], s1  }
0x2a: {  	s0 =	simm.s32 @!p0 $0x2  }
0x2b: {  	_ =	swait.ge @!p0 [sflag:s0], s1  }
0x2c: {  	s1 =	ssub.s32 @!p0 $0x0, s1;
	[sflag:s0] =	ssyncset.done @!p0 $0x0  }
0x2d: {  	[sflag:s0] =	ssyncadd.s32 @!p0 s1  }
0x2e: {  	[bflag:$0x3] =	sbarrier.arrive $0xFFFF  }
0x2f: {  	_ =	shalt  }

// kernel: kernel.9.cloned.1.call-start
scs
__scs_entry_jumppad:
0x0: {  	(pc) =	sbr.rel $0x88, $3  }
0x1: {  	(tag) =	ssettag $0x0;
	lr =	simm.s32 $0x1  }
0x2: {  	[smem:$0x3F64] =	sst lr;
	_ =	strace $0xD0000000  }
0x3: {  	_ = 	snop  }
0x4: {  	_ = 	snop  }
0x5: {  	_ = 	snop  }
0x6: {  	_ = 	snop  }
0x7: {  	_ = 	snop  }
__scs_overlays_trampoline_lowered:
0x8: {  	[smem:$0x3F73] =	sst s0  }
0x9: {  	[smem:$0x3F74] =	sst s1  }
0xa: {  	[smem:$0x3F75] =	sst s2  }
0xb: {  	[smem:$0x3F76] =	sst s3  }
0xc: {  	[smem:$0x3F77] =	sst s4  }
0xd: {  	[smem:$0x3F78] =	sst s5  }
0xe: {  	[smem:$0x3F79] =	sst s6  }
0xf: {  	[smem:$0x3F7A] =	sst s7  }
0x10: {  	[smem:$0x3F7B] =	sst s8  }
0x11: {  	[smem:$0x3F7C] =	sst s9;
	s0 =	simm.s32 @!p0 $0x0  }
0x12: {  	s1 =	sld [smem:$0x3F62];
	s0 =	simm.s32 @p0 $0x1  }
0x13: {  	[smem:$0x3F7D] =	sst s0;
	s0 =	simm.s32 @!p1 $0x0  }
0x14: {  	s2 =	sld [smem:$0x3F61];
	s0 =	simm.s32 @p1 $0x1  }
0x15: {  	[smem:$0x3F7E] =	sst s0;
	s0 =	simm.s32 @!p2 $0x0  }
0x16: {  	s3 =	sld [smem:$0x3FDB];
	s0 =	simm.s32 @p2 $0x1  }
0x17: {  	s4 =	simm.s32 $0x1BF5;
	[smem:$0x3F80] =	sst s0  }
0x18: {  	s0 =	sld [smem:$0x3F63];
	_ =	swait.ge [sflag:s4], $0x0  }
0x19: {  	s7 =	sld [smem:$0x3F64]  }
0x1a: {  	s8 =	sadd.s32 $0xFFFFE003, lr  }
0x1b: {  	s9 =	sadd.s32 $0xFFFFFEF7, lr;
	s5 =	simm.s32 $0xFFFFFFFF;
	p2 =	slt.u32 s8, $0xFFFFF086  }
0x1c: {  	p1 =	slt.u32 s9, $0xF7A;
	s5 =	simm.s32 @!p2 $0x0  }
0x1d: {  	s5 =	simm.s32 @p1 $0x1;
	p0 =	seq.s32 s7, s2  }
0x1e: {  	s7 =	smul.u32 @!p0 $0xF7A, s2;
	p2 =	seq.s32 @!p0 s5, $0x0  }
0x1f: {  	s9 =	smul.u32 $0xF7A, s1;
	s8 =	simm.s32 @!p0 $0x1BF5;
	p2 =	por !p2, p0  }
0x20: {  	[sflag:s8] =	ssyncset.s32 @!p0 $0xFFFFF086;
	s6 =	sadd.s32 @!p0 s3, s7;
	s7 =	simm.s32 @!p0 $0x108  }
0x21: {  	s3 =	sadd.s32 s3, s9;
	s6 =	sadd.s32 @!p0 $0x88, s6;
	s7 =	simm.s32 @p2 $0x1082  }
0x22: {  	[simem:s7], [sflag:s8] =	dma.local @!p0 [hbm:s6], $0xF7A  }
0x23: {  	s9 =	sor.u32 $0xD0000000, s2;
	s6 =	simm.s32 $0x108;
	_ =	swait.ge @!p0 [sflag:s8], $0x0  }
0x24: {  	s3 =	sadd.s32 $0x88, s3;
	s6 =	simm.s32 @!p1 $0x1082;
	[sflag:s4] =	ssyncset.s32 $0xFFFFF086  }
0x25: {  	[simem:s6], [sflag:s4] =	dma.local [hbm:s3], $0xF7A  }
0x26: {  	[smem:$0x3F64] =	sst s1;
	(tag) =	ssettag s2;
	_ =	strace s9  }
0x27: {  	s1 =	sld [smem:$0x3F74]  }
0x28: {  	s2 =	sld [smem:$0x3F75]  }
0x29: {  	s4 =	sld [smem:$0x3F77]  }
0x2a: {  	p0 =	seq.s32 s5, $0x0;
	s5 =	sld [smem:$0x3F78]  }
0x2b: {  	s6 =	sld [smem:$0x3F79]  }
0x2c: {  	s7 =	sld [smem:$0x3F7A]  }
0x2d: {  	s3 =	simm.s32 $0x108;
	s8 =	sld [smem:$0x3F7B]  }
0x2e: {  	s3 =	simm.s32 @!p0 $0x1082;
	s9 =	sld [smem:$0x3F7C]  }
0x2f: {  	lr =	sadd.s32 s0, s3;
	s0 =	sld [smem:$0x3F73]  }
0x30: {  	s3 =	sld [smem:$0x3F76]  }
0x31: {  	[smem:$0x3F7F] =	sst s10  }
0x32: {  	s10 =	sld [smem:$0x3F7D];
	_ =	sdelay $0x3  }
0x33: {  	p0 =	seq.s32 s10, $0x1;
	s10 =	sld [smem:$0x3F7F];
	_ =	sdelay $0x3  }
0x34: {  	[smem:$0x3F7F] =	sst s10  }
0x35: {  	s10 =	sld [smem:$0x3F7E];
	_ =	sdelay $0x3  }
0x36: {  	p1 =	seq.s32 s10, $0x1;
	s10 =	sld [smem:$0x3F7F];
	_ =	sdelay $0x3  }
0x37: {  	[smem:$0x3F7F] =	sst s10  }
0x38: {  	s10 =	sld [smem:$0x3F80]  }
0x39: {  	_ = 	snop;
	(pc) =	sbr.ind lr, $3  }
0x3a: {  	_ = 	snop  }
0x3b: {  	_ = 	snop  }
0x3c: {  	p2 =	seq.s32 s10, $0x1;
	s10 =	sld [smem:$0x3F7F]  }
0x3d: {  	_ =	shalt  }
0x3e: {  	_ =	shalt  }
0x3f: {  	_ =	shalt  }
0x40: {  	_ =	shalt  }
0x41: {  	_ =	shalt  }
0x42: {  	_ =	shalt  }
0x43: {  	_ =	shalt  }
0x44: {  	_ =	shalt  }
0x45: {  	_ =	shalt  }
0x46: {  	_ =	shalt  }
0x47: {  	_ =	shalt  }
0x48: {  	_ =	shalt  }
0x49: {  	_ =	shalt  }
0x4a: {  	_ =	shalt  }
0x4b: {  	_ =	shalt  }
0x4c: {  	_ =	shalt  }
0x4d: {  	_ =	shalt  }
0x4e: {  	_ =	shalt  }
0x4f: {  	_ =	shalt  }
0x50: {  	_ =	shalt  }
0x51: {  	_ =	shalt  }
0x52: {  	_ =	shalt  }
0x53: {  	_ =	shalt  }
0x54: {  	_ =	shalt  }
0x55: {  	_ =	shalt  }
0x56: {  	_ =	shalt  }
0x57: {  	_ =	shalt  }
0x58: {  	_ =	shalt  }
0x59: {  	_ =	shalt  }
0x5a: {  	_ =	shalt  }
0x5b: {  	_ =	shalt  }
0x5c: {  	_ =	shalt  }
0x5d: {  	_ =	shalt  }
0x5e: {  	_ =	shalt  }
0x5f: {  	_ =	shalt  }
0x60: {  	_ =	shalt  }
0x61: {  	_ =	shalt  }
0x62: {  	_ =	shalt  }
0x63: {  	_ =	shalt  }
0x64: {  	_ =	shalt  }
0x65: {  	_ =	shalt  }
0x66: {  	_ =	shalt  }
0x67: {  	_ =	shalt  }
0x68: {  	_ =	shalt  }
0x69: {  	_ =	shalt  }
0x6a: {  	_ =	shalt  }
0x6b: {  	_ =	shalt  }
0x6c: {  	_ =	shalt  }
0x6d: {  	_ =	shalt  }
0x6e: {  	_ =	shalt  }
0x6f: {  	_ =	shalt  }
0x70: {  	_ =	shalt  }
0x71: {  	_ =	shalt  }
0x72: {  	_ =	shalt  }
0x73: {  	_ =	shalt  }
0x74: {  	_ =	shalt  }
0x75: {  	_ =	shalt  }
0x76: {  	_ =	shalt  }
0x77: {  	_ =	shalt  }
0x78: {  	_ =	shalt  }
0x79: {  	_ =	shalt  }
0x7a: {  	_ =	shalt  }
0x7b: {  	_ =	shalt  }
0x7c: {  	_ =	shalt  }
0x7d: {  	_ =	shalt  }
0x7e: {  	_ =	shalt  }
0x7f: {  	_ =	shalt  }
0x80: {  	_ =	shalt  }
0x81: {  	_ =	shalt  }
0x82: {  	_ =	shalt  }
0x83: {  	_ =	shalt  }
0x84: {  	_ =	shalt  }
0x85: {  	_ =	shalt  }
0x86: {  	_ =	shalt  }
0x87: {  	_ =	shalt  }
.Lfunc_end0:
.L_simem_size_0:
called_computation.1_lowered:
.L_overlay_start_0:
0x88: {  	s2 =	sld [smem:$0x3FD9]  }
0x89: {  	s3 =	sld [smem:$0x3FFE];
	_ =	sdelay $0x1  }
0x8a: {  	s1 =	srdreg.scid  }
0x8b: {  	s0 =	sand.u32 $0x1, s1  }
0x8c: {  	s14 =	sshll.u32 s0, $0xA;
	s2 =	sadd.s32 s3, s2  }
0x8d: {  	s2 =	sadd.s32 s2, s14  }
0x8e: {  	[smem:$0x3F8B] =	sst s2  }
0x8f: {  	_ = 	snop  }
0x90: {  	s2 =	sld [smem:$0x3FD0];
	_ =	sdelay $0x2  }
0x91: {  	s15 =	simm.s32 $0xA;
	s4 =	simm.s32 $0x10  }
0x92: {  	[smem:s4], [sflag:s15] =	dma.local [hbm:s2], $0x1  }
0x93: {  	_ =	swait.eq [sflag:s15], $0x1  }
0x94: {  	[sflag:s15] =	ssyncset.done $0x0  }
0x95: {  	[sflag:s15] =	ssyncadd.s32 $0xFFFFFFFF  }
0x96: {  	s16 =	sld [smem:$0x10];
	(tm) =	ssettm $0x1  }
0x97: {  	s17 =	sld [smem:$0x3FFB];
	_ =	sdelay $0x3  }
0x98: {  	_ =	strace s17  }
0x99: {  	s3 =	sld [smem:$0x3FFC];
	_ =	sdelay $0x3  }
0x9a: {  	_ =	strace s3  }
0x9b: {  	s3 =	sld [smem:$0x3FFD];
	_ =	sdelay $0x3  }
0x9c: {  	_ =	strace s3  }
0x9d: {  	_ =	strace $0x8FFFFFFF  }
0x9e: {  	s18 =	sld [smem:$0x3FDB];
	_ =	sdelay $0x1  }
0x9f: {  	s19 =	simm.s32 $_scs_section_size  }
0xa0: {  	s5 =	simm.s32 $_size__tile_overlayer_lowered;
	s6 =	simm.s32 $_tile_overlayer_lowered  }
0xa1: {  	s22 =	simm.s32 $0x1BFF;
	s21 =	sshll.u32 s6, $0x1;
	s3 =	sadd.s32 s19, s18  }
0xa2: {  	s7 =	simm.s32 $0x0;
	s20 =	sshll.u32 s5, $0x1;
	s5 =	sadd.s32 s21, s3  }
0xa3: {  	[timem:s7], [sflag:s22] =	dma.local [hbm:s5], s20  }
0xa4: {  	_ =	swait.ge [sflag:s22], s20  }
0xa5: {  	s4 =	ssub.s32 $0x0, s20;
	[sflag:s22] =	ssyncset.done $0x0  }
0xa6: {  	[sflag:s22] =	ssyncadd.s32 s4;
	_ =	sdelay $0x1  }
0xa7: {  	s23 =	simm.s32 $0x1B8B  }
0xa8: {  	_ =	swait.ge [sflag:s23], $0x1  }
0xa9: {  	[sflag:s23] =	ssyncset.done $0x0  }
0xaa: {  	s25 =	simm.s32 $0x1B8E;
	s24 =	sld [smem:$0x3FFE];
	[sflag:s23] =	ssyncadd.s32 $0xFFFFFFFF  }
0xab: {  	s26 =	simm.s32 $execute0_lowered;
	[smem:$0x3FD2] =	sst s25  }
0xac: {  	s5 =	sshll.u32 s26, $0x1;
	_ =	strace $0x80000049;
	[dreg:$0x1] =	wrdreg $0xFFFFFFFF  }
0xad: {  	s28 =	simm.s32 $_size_execute0_lowered;
	s3 =	sadd.s32 s3, s5;
	[dreg:$0x0] =	wrdreg $0x0  }
0xae: {  	s5 =	sshll.u32 s28, $0x1;
	[dreg:$0x2] =	wrdreg s3  }
0xaf: {  	[dreg:$0x3] =	wrdreg s5  }
0xb0: {  	[dreg:$0x4] =	wrdreg $0xC0  }
0xb1: {  	_ =	task [dreg:s7], $0x5FFFF  }
0xb2: {  	[dreg:$0x1] =	wrdreg $0xFFFFFFFF  }
0xb3: {  	[dreg:$0x0] =	wrdreg $0x60  }
0xb4: {  	[dreg:$0x2] =	wrdreg s24  }
0xb5: {  	[dreg:$0x3] =	wrdreg s16  }
0xb6: {  	[dreg:$0x4] =	wrdreg $0x9  }
0xb7: {  	_ =	task.clear_ibuf [dreg:s7], $0x5FFFF;
	_ =	strace $0x90000049  }
0xb8: {  	s29 =	simm.s32 $0x9;
	_ =	strace $0x8000004B  }
0xb9: {  	_ =	swait.ge [sflag:s29], $0x1  }
0xba: {  	[sflag:s29] =	ssyncadd.s32 $0xFFFFFFFF  }
0xbb: {  	_ =	strace $0x9000004B  }
0xbc: {  	_ =	sfence  }
0xbd: {  	s30 =	sld [smem:$0x0];
	_ =	sdelay $0x2  }
0xbe: {  	s31 =	sshll.u32 s1, $0xD;
	s1 =	sshrl.u32 s1, $0x2  }
0xbf: {  	s3 =	sand.u32 $0x4000, s31;
	s1 =	sadd.s32 s1, s30  }
0xc0: {  	s0 =	sor.u32 s3, s0;
	s1 =	sshll.u32 s1, $0x11  }
0xc1: {  	s0 =	sor.u32 s1, s0  }
0xc2: {  	s0 =	sadd.s32 $0x8F2B, s0  }
0xc3: {  	[sflag:s0] =	ssyncadd.remote.s32 $0x1  }
0xc4: {  	_ =	sfence.sel $0xFFFF  }
0xc5: {  	[dreg:$0x0] =	wrdreg $0xFFFFFFFF;
	(pc) =	sbr.abs _section_cstart, $3  }
0xc6: {  	[dreg:$0x1] =	wrdreg $0xFFFFFFFF  }
0xc7: {  	_ =	task.clear_ibuf [dreg:s7], $0x2FFFF;
	_ =	strace $0x9FFFFFFF  }
0xc8: {  	(tm) =	ssettm $0x7FFFFFFF  }
0xc9: {  	_ =	shalt  }
tec
execute0_lowered:
.L_overlay_start_1:
0x0: {  	(tag) =	ssettag $0x1  }
0x1: {  	s1 =	srdreg.scid  }
0x2: {  	s0 =	stileid.u32;
	s8 =	rddreg [dreg:$0x0]  }
0x3: {  	s3 =	rddreg [dreg:$0x1];
	s6 =	sand.u32 $0x1, s1;
	s30 =	sshll.u32 s0, $0x1  }
0x4: {  	s2 =	simm.s32 $0x0;
	s1 =	rddreg [dreg:$0x2];
	s7 =	sor.u32 s6, s30  }
0x5: {  	[smem:$0x7FF] =	sst s2;
	s4 =	smul.u32 $0x31, s7  }
0x6: {  	s5 =	sadd.s32 $0xA800, s8;
	_ =	strace $0x8000004A;
	s10 =	ssub.s32 $0x2, s6  }
0x7: {  	s6 =	simm.s32 $0x188;
	s4 =	sadd.s32 s3, s4;
	s3 =	simm.s32 $0x2  }
0x8: {  	[tilespmem:s2], [sflag:$0x2] =	stream.linear.gather [hbm4b:s4+s2], $0x188, $0x38;
	[tilespmem:$0x6388] =	vst v63  }
0x9: {  	s9 =	smul.u32 $0xC40, s7;
	s11 =	sshrl.u32 s10, $0x1;
	_ =	swait.ge [sflag:s3], $0x188  }
0xa: {  	s7 =	simm.s32 $0x1;
	s31 =	ssub.s32 s10, s11;
	[sflag:s3] =	ssyncset.done $0x0  }
0xb: {  	s8 =	sadd.s32 s9, s8;
	s9 =	smax.u32 s31, $0x1;
	[sflag:s3] =	ssyncadd.s32 $0xFFFFFE78  }
0xc: {  	[tilespmem:s6], [sflag:$0x1] =	stream.indirect.gather [hbm4b:s5+s6], $0x40, s2, s6, $0xb8;
	[tilespmem:$0x6388] =	vst v63  }
0xd: {  	p0 =	sne.s32 s9, $0x1;
	_ =	swait.ge [sflag:s7], $0x6200  }
.Ltmp0:
0xe: {  	[sflag:s7] =	ssyncset.done $0x0;
	(pc) =	sbr.rel @!p0 .LBB2_2-.Ltmp0, $4  }
0xf: {  	s8 =	sadd.s32 $0xB800, s8;
	[sflag:s7] =	ssyncadd.s32 $0xFFFF9E00  }
0x10: {  	[hbm4b:s8+s2] =	stream.linear.scatter [tilespmem:s6], [sflag:$0x2], $0x6200, $0x38;
	[tilespmem:$0x6388] =	vst v63  }
0x11: {  	_ =	swait.ge [sflag:s3], $0x6200  }
0x12: {  	s9 =	sadd.s32 $0xFFFFFFFF, s9;
	[sflag:s3] =	ssyncset.done $0x0  }
.LBB2_1:
0x13: {  	p0 =	sne.s32 s9, $0x1;
	s9 =	sadd.s32 $0xFFFFFFFF, s9;
	[sflag:s3] =	ssyncadd.s32 $0xFFFF9E00  }
0x14: {  	[tilespmem:s2], [sflag:$0x2] =	stream.linear.gather [hbm4b:s4+s2], $0x188, $0x38;
	[tilespmem:$0x6388] =	vst v63  }
0x15: {  	_ =	swait.ge [sflag:s3], $0x188  }
0x16: {  	[sflag:s3] =	ssyncset.done $0x0  }
0x17: {  	[sflag:s3] =	ssyncadd.s32 $0xFFFFFE78  }
0x18: {  	[tilespmem:s6], [sflag:$0x1] =	stream.indirect.gather [hbm4b:s5+s6], $0x40, s2, s6, $0xb8;
	[tilespmem:$0x6388] =	vst v63  }
0x19: {  	_ =	swait.ge [sflag:s7], $0x6200  }
.Ltmp1:
0x1a: {  	[sflag:s7] =	ssyncset.done $0x0;
	(pc) =	sbr.rel @p0 .LBB2_1-.Ltmp1, $4  }
0x1b: {  	[sflag:s7] =	ssyncadd.s32 $0xFFFF9E00  }
0x1c: {  	[hbm4b:s8+s2] =	stream.linear.scatter [tilespmem:s6], [sflag:$0x2], $0x6200, $0x38;
	[tilespmem:$0x6388] =	vst v63  }
0x1d: {  	_ =	swait.ge [sflag:s3], $0x6200  }
0x1e: {  	[sflag:s3] =	ssyncset.done $0x0  }
.LBB2_2:
0x1f: {  	[sflag:s3] =	ssyncadd.s32 $0xFFFF9E00  }
0x20: {  	_ =	sfence.sel $0x180000  }
0x21: {  	[bflag:$0x0] =	sbarrier.arrive $0xFFFF  }
0x22: {  	p0 =	sne.s32 s0, $0x0;
	_ =	strace $0x9000004A  }
0x23: {  	s0 =	sadd.s32 @!p0 $0x100000, s1;
	[bflag:$0x2] =	sbarrier.arrive $0xFFFF  }
0x24: {  	[sflag:s0] =	ssyncadd.tile.s32 @!p0 $0x1;
	_ =	shalt  }
.Lfunc_end2:
_tile_overlayer_lowered:
.L_overlay_start_2:
0x25: {  	(tag) =	ssettag $0x2  }
0x26: {  	s0 =	rddreg [dreg:$0x0];
	s2 =	stileid.u32  }
0x27: {  	s1 =	rddreg [dreg:$0x1];
	p0 =	sne.s32 s2, $0x0  }
0x28: {  	s3 =	rddreg [dreg:$0x2];
	[bflag:$0x3] =	sbarrier.arrive $0xFFFF;
	s2 =	simm.s32 @!p0 $0x1C02  }
0x29: {  	[timem:s3], [sflag:s2] =	dma.local @!p0 [hbm:s0], s1  }
0x2a: {  	s0 =	simm.s32 @!p0 $0x2  }
0x2b: {  	_ =	swait.ge @!p0 [sflag:s0], s1  }
0x2c: {  	s1 =	ssub.s32 @!p0 $0x0, s1;
	[sflag:s0] =	ssyncset.done @!p0 $0x0  }
0x2d: {  	[sflag:s0] =	ssyncadd.s32 @!p0 s1  }
0x2e: {  	[bflag:$0x3] =	sbarrier.arrive $0xFFFF  }
0x2f: {  	_ =	shalt  }

</sc_bundles>
